<compile_context>
chip_gen: v7x
topology: tpu7x:2x2x1
jax: 0.10.2.dev20260603
libtpu: 0.0.44.dev20260713+nightly
codegen_flags: <defaults>
</compile_context>

<pallas_src>
import functools

import jax
import jax.numpy as jnp
from jax import lax
from jax.experimental import pallas as pl
from jax.experimental.pallas import tpu as pltpu
from jax.experimental.pallas import tpu_sc as plsc

_B = 32
_N = 1024
_L = 16
_NUM_CORES = 2
_NUM_SUBCORES = 16

_MESH = plsc.VectorSubcoreMesh(core_axis_name="c", subcore_axis_name="s")


@functools.partial(
    pl.kernel,
    out_type=jax.ShapeDtypeStruct((_B, _N), jnp.int32),
    mesh=_MESH,
    scratch_types=[
        pltpu.VMEM((_N,), jnp.int32),
        pltpu.VMEM((_N,), jnp.int32),
    ],
    compiler_params=pltpu.CompilerParams(needs_layout_passes=False),
)
def _position_ids_sc(mask_hbm, out_hbm, mask_v, out_v):
    wid = lax.axis_index("s") * _NUM_CORES + lax.axis_index("c")
    pltpu.sync_copy(mask_hbm.at[wid], mask_v)

    def body(i, carry):
        v = mask_v[pl.ds(i * _L, _L)]
        incl = plsc.cumsum(v)
        rank = incl + (carry - 1)
        out_v[pl.ds(i * _L, _L)] = jnp.where(v > 0, rank, jnp.zeros_like(rank))
        return carry + jnp.sum(v)

    lax.fori_loop(0, _N // _L, body, jnp.int32(0))
    pltpu.sync_copy(out_v, out_hbm.at[wid])


def kernel(input_image_embeds, image_attention_mask):
    del input_image_embeds
    mask = image_attention_mask.reshape(_B, _N).astype(jnp.int32)
    return {"patch_position_ids": _position_ids_sc(mask)}

# --- scband reference (transcript-rebuilt; emitter-appended) ---
"""Pipeline reference for scband-position-ids-model-5746666242360 (READ-ONLY COPY).

The authoritative reference and input builder live on the scoring server;
editing this copy changes nothing except your own understanding.
"""

import jax, jax.numpy as jnp
import numpy as np


def setup_inputs(seed: int = 0) -> dict:
    key = jax.random.key(seed)
    input_image_embeds = jax.random.normal(key, (8, 4, 3, 448, 448), dtype=jnp.float32)
    image_attention_mask = jnp.ones((8, 4, 32, 32), dtype=bool)
    return {"input_image_embeds": input_image_embeds, "image_attention_mask": image_attention_mask}


def reference(input_image_embeds, image_attention_mask):
    patch_size = 14
    num_patches_per_side = 32
    emb = input_image_embeds.reshape((-1,) + input_image_embeds.shape[2:])
    mask = image_attention_mask.reshape((-1,) + image_attention_mask.shape[2:])
    batch_size = emb.shape[0]
    max_im_h, max_im_w = emb.shape[2], emb.shape[3]
    max_nb_patches_h = max_im_h // patch_size
    max_nb_patches_w = max_im_w // patch_size
    boundaries = jnp.arange(1.0 / num_patches_per_side, 1.0, 1.0 / num_patches_per_side)
    position_ids = jnp.zeros((batch_size, max_nb_patches_h * max_nb_patches_w), dtype=jnp.int32)
    for batch_idx in range(batch_size):
        p_attn_mask = mask[batch_idx]
        nb_patches_h = p_attn_mask.shape[0]
        nb_patches_w = p_attn_mask.shape[1]
        fractional_coords_h = jnp.arange(0.0, 1.0 - 1e-06, 1.0 / nb_patches_h)
        fractional_coords_w = jnp.arange(0.0, 1.0 - 1e-06, 1.0 / nb_patches_w)
        # torch.bucketize(..., right=True) == searchsorted side='right'
        bucket_coords_h = jnp.searchsorted(boundaries, fractional_coords_h, side='right')
        bucket_coords_w = jnp.searchsorted(boundaries, fractional_coords_w, side='right')
        pos_ids = (bucket_coords_h[:, None] * num_patches_per_side + bucket_coords_w).reshape(-1).astype(jnp.int32)
        flat_mask = p_attn_mask.reshape(-1).astype(bool)
        idx = jnp.nonzero(flat_mask, size=pos_ids.shape[0], fill_value=0)[0]
        row = position_ids[batch_idx].at[idx].set(pos_ids)
        position_ids = position_ids.at[batch_idx].set(row)
    return {'patch_position_ids': position_ids}

if __name__ == "__main__":
    import jax
    _d = setup_inputs()
    print(jax.jit(kernel)(*tuple(_d.values())))

</pallas_src>

<mosaic_0001>
#map = affine_map<(d0, d1) -> (0, 0)>
module attributes {stable_mosaic.version = 14 : i64} {
  func.func @_position_ids_sc(%arg0: i32, %arg1: i32, %arg2: memref<32x1024xi32, #tpu.memory_space<hbm>>, %arg3: memref<32x1024xi32, #tpu.memory_space<hbm>>, %arg4: memref<1024xi32, #tpu.memory_space<vmem>>, %arg5: memref<1024xi32, #tpu.memory_space<vmem>>) attributes {dimension_semantics = [#tpu.dimension_semantics<core_parallel>, #tpu.dimension_semantics<subcore_parallel>], iteration_bounds = array<i64: 2, 16>, scalar_prefetch = 0 : i64, scratch_operands = 2 : i64, tpu.core_type = #tpu.core_type<sc_vector_subcore>, window_params = [{transform_indices = #map}, {transform_indices = #map}]} {
    %mul3A = arith.constant 2 : i32
    %mul3A_0 = arith.muli %arg1, %mul3A : i32
    %add3A = arith.addi %mul3A_0, %arg0 : i32
    "tpu.region"() ({
      %run_scoped3A = tpu.sem_alloc : memref<!tpu.dma_semaphore, #tpu.memory_space<semaphore_mem>>
      %dma_start3A = arith.constant 0 : i32
      %dma_start3A_7 = tpu.memref_slice %arg2[%add3A, %dma_start3A] : memref<32x1024xi32, #tpu.memory_space<hbm>> -> memref<1x1024xi32, #tpu.memory_space<hbm>>
      %dma_start3A_8 = tpu.memref_squeeze %dma_start3A_7 : memref<1x1024xi32, #tpu.memory_space<hbm>> -> memref<1024xi32, #tpu.memory_space<hbm>>
      %dma_start3A_9 = arith.constant 0 : i32
      %dma_start3A_10 = tpu.memref_slice %arg2[%add3A, %dma_start3A_9] : memref<32x1024xi32, #tpu.memory_space<hbm>> -> memref<1x1024xi32, #tpu.memory_space<hbm>>
      %dma_start3A_11 = tpu.memref_squeeze %dma_start3A_10 : memref<1x1024xi32, #tpu.memory_space<hbm>> -> memref<1024xi32, #tpu.memory_space<hbm>>
      tpu.enqueue_dma source(%dma_start3A_11 : memref<1024xi32, #tpu.memory_space<hbm>>) target(%arg4 : memref<1024xi32, #tpu.memory_space<vmem>>) target_semaphore(%run_scoped3A : memref<!tpu.dma_semaphore, #tpu.memory_space<semaphore_mem>>)
      %dma_wait3A = arith.constant 0 : i32
      %dma_wait3A_12 = tpu.memref_slice %arg2[%add3A, %dma_wait3A] : memref<32x1024xi32, #tpu.memory_space<hbm>> -> memref<1x1024xi32, #tpu.memory_space<hbm>>
      %dma_wait3A_13 = tpu.memref_squeeze %dma_wait3A_12 : memref<1x1024xi32, #tpu.memory_space<hbm>> -> memref<1024xi32, #tpu.memory_space<hbm>>
      %dma_wait3A_14 = arith.constant 0 : i32
      %dma_wait3A_15 = tpu.memref_slice %arg2[%add3A, %dma_wait3A_14] : memref<32x1024xi32, #tpu.memory_space<hbm>> -> memref<1x1024xi32, #tpu.memory_space<hbm>>
      %dma_wait3A_16 = tpu.memref_squeeze %dma_wait3A_15 : memref<1x1024xi32, #tpu.memory_space<hbm>> -> memref<1024xi32, #tpu.memory_space<hbm>>
      tpu.wait_dma2 semaphore(%run_scoped3A : memref<!tpu.dma_semaphore, #tpu.memory_space<semaphore_mem>>) src(%dma_wait3A_16 : memref<1024xi32, #tpu.memory_space<hbm>>) dst(%arg4 : memref<1024xi32, #tpu.memory_space<vmem>>)
      tpu.yield
    }) : () -> ()
    %scan3A = arith.constant 0 : i32
    %scan3A_1 = arith.constant 0 : i32
    %scan3A_2 = arith.constant 64 : i32
    %scan3A_3 = arith.addi %scan3A_1, %scan3A_2 : i32
    %scan3A_4 = arith.constant 1 : i32
    %scan3A_5 = scf.for %scan3A_7 = %scan3A_1 to %scan3A_3 step %scan3A_4 iter_args(%scan3A_8 = %scan3A) -> (i32)  : i32 {
      %mul3A_9 = arith.constant 16 : i32
      %mul3A_10 = arith.muli %scan3A_7, %mul3A_9 : i32
      %get3A = arith.index_cast %mul3A_10 : i32 to index
      %get3A_11 = tpu.vector_load %arg4[%get3A] {strides = array<i32>} : memref<1024xi32, #tpu.memory_space<vmem>>, vector<16xi32>,
      %broadcast_in_dim3A = arith.constant true
      %broadcast_in_dim3A_12 = vector.broadcast %broadcast_in_dim3A : i1 to vector<16xi1>
      %masked_cumsum3A = tpu.scan <sum>, %get3A_11 masked %broadcast_in_dim3A_12 : vector<16xi32>, vector<16xi1> -> vector<16xi32>
      %sub3A = arith.constant 1 : i32
      %sub3A_13 = arith.subi %scan3A_8, %sub3A : i32
      %add3A_14 = vector.broadcast %sub3A_13 : i32 to vector<16xi32>
      %add3A_15 = arith.addi %masked_cumsum3A, %add3A_14 : vector<16xi32>
      %gt3A = arith.constant 0 : i32
      %gt3A_16 = vector.broadcast %gt3A : i32 to vector<16xi32>
      %gt3A_17 = arith.cmpi sgt, %get3A_11, %gt3A_16 : vector<16xi32>
      %broadcast_in_dim3A_18 = arith.constant 0 : i32
      %broadcast_in_dim3A_19 = vector.broadcast %broadcast_in_dim3A_18 : i32 to vector<16xi32>
      %select_n3A = arith.select %gt3A_17, %add3A_15, %broadcast_in_dim3A_19 : vector<16xi1>, vector<16xi32>
      %mul3A_20 = arith.constant 16 : i32
      %mul3A_21 = arith.muli %scan3A_7, %mul3A_20 : i32
      %swap3A = arith.index_cast %mul3A_21 : i32 to index
      %swap3A_22 = tpu.vector_load %arg5[%swap3A] {strides = array<i32>} : memref<1024xi32, #tpu.memory_space<vmem>>, vector<16xi32>,
      tpu.vector_store %arg5[%swap3A], %select_n3A {strides = array<i32>} : memref<1024xi32, #tpu.memory_space<vmem>>, vector<16xi32>,
      %reduce_sum3A = arith.constant true
      %reduce_sum3A_23 = vector.broadcast %reduce_sum3A : i1 to vector<16xi1>
      %reduce_sum3A_24 = tpu.scan <sum>, %get3A_11 masked %reduce_sum3A_23 : vector<16xi32>, vector<16xi1> -> vector<16xi32>
      %reduce_sum3A_25 = vector.extract %reduce_sum3A_24[15] : i32 from vector<16xi32>
      %add3A_26 = arith.addi %scan3A_8, %reduce_sum3A_25 : i32
      scf.yield %add3A_26 : i32
    }
    %scan3A_6 = arith.constant 64 : i32
    "tpu.region"() ({
      %run_scoped3A = tpu.sem_alloc : memref<!tpu.dma_semaphore, #tpu.memory_space<semaphore_mem>>
      %dma_start3A = arith.constant 0 : i32
      %dma_start3A_7 = tpu.memref_slice %arg3[%add3A, %dma_start3A] : memref<32x1024xi32, #tpu.memory_space<hbm>> -> memref<1x1024xi32, #tpu.memory_space<hbm>>
      %dma_start3A_8 = tpu.memref_squeeze %dma_start3A_7 : memref<1x1024xi32, #tpu.memory_space<hbm>> -> memref<1024xi32, #tpu.memory_space<hbm>>
      %dma_start3A_9 = arith.constant 0 : i32
      %dma_start3A_10 = tpu.memref_slice %arg3[%add3A, %dma_start3A_9] : memref<32x1024xi32, #tpu.memory_space<hbm>> -> memref<1x1024xi32, #tpu.memory_space<hbm>>
      %dma_start3A_11 = tpu.memref_squeeze %dma_start3A_10 : memref<1x1024xi32, #tpu.memory_space<hbm>> -> memref<1024xi32, #tpu.memory_space<hbm>>
      tpu.enqueue_dma source(%arg5 : memref<1024xi32, #tpu.memory_space<vmem>>) target(%dma_start3A_11 : memref<1024xi32, #tpu.memory_space<hbm>>) target_semaphore(%run_scoped3A : memref<!tpu.dma_semaphore, #tpu.memory_space<semaphore_mem>>)
      %dma_wait3A = arith.constant 0 : i32
      %dma_wait3A_12 = tpu.memref_slice %arg3[%add3A, %dma_wait3A] : memref<32x1024xi32, #tpu.memory_space<hbm>> -> memref<1x1024xi32, #tpu.memory_space<hbm>>
      %dma_wait3A_13 = tpu.memref_squeeze %dma_wait3A_12 : memref<1x1024xi32, #tpu.memory_space<hbm>> -> memref<1024xi32, #tpu.memory_space<hbm>>
      %dma_wait3A_14 = arith.constant 0 : i32
      %dma_wait3A_15 = tpu.memref_slice %arg3[%add3A, %dma_wait3A_14] : memref<32x1024xi32, #tpu.memory_space<hbm>> -> memref<1x1024xi32, #tpu.memory_space<hbm>>
      %dma_wait3A_16 = tpu.memref_squeeze %dma_wait3A_15 : memref<1x1024xi32, #tpu.memory_space<hbm>> -> memref<1024xi32, #tpu.memory_space<hbm>>
      tpu.wait_dma2 semaphore(%run_scoped3A : memref<!tpu.dma_semaphore, #tpu.memory_space<semaphore_mem>>) src(%arg5 : memref<1024xi32, #tpu.memory_space<vmem>>) dst(%dma_wait3A_16 : memref<1024xi32, #tpu.memory_space<hbm>>)
      tpu.yield
    }) : () -> ()
    return
  }
}

</mosaic_0001>

<sc_bundles>
// kernel: kernel.3.cloned.1.call-start
scs
__scs_entry_jumppad:
0x0: {  	(pc) =	sbr.rel $0x88, $3  }
0x1: {  	(tag) =	ssettag $0x0;
	lr =	simm.s32 $0x1  }
0x2: {  	[smem:$0x3FA0] =	sst lr;
	_ =	strace $0xD0000000  }
0x3: {  	_ = 	snop  }
0x4: {  	_ = 	snop  }
0x5: {  	_ = 	snop  }
0x6: {  	_ = 	snop  }
0x7: {  	_ = 	snop  }
__scs_overlays_trampoline_lowered:
0x8: {  	[smem:$0x3FAF] =	sst s0  }
0x9: {  	[smem:$0x3FB0] =	sst s1  }
0xa: {  	[smem:$0x3FB1] =	sst s2  }
0xb: {  	[smem:$0x3FB2] =	sst s3  }
0xc: {  	[smem:$0x3FB3] =	sst s4  }
0xd: {  	[smem:$0x3FB4] =	sst s5  }
0xe: {  	[smem:$0x3FB5] =	sst s6  }
0xf: {  	[smem:$0x3FB6] =	sst s7  }
0x10: {  	[smem:$0x3FB7] =	sst s8  }
0x11: {  	[smem:$0x3FB8] =	sst s9;
	s0 =	simm.s32 @!p0 $0x0  }
0x12: {  	s1 =	sld [smem:$0x3F9E];
	s0 =	simm.s32 @p0 $0x1  }
0x13: {  	[smem:$0x3FB9] =	sst s0;
	s0 =	simm.s32 @!p1 $0x0  }
0x14: {  	s2 =	sld [smem:$0x3F9D];
	s0 =	simm.s32 @p1 $0x1  }
0x15: {  	[smem:$0x3FBA] =	sst s0;
	s0 =	simm.s32 @!p2 $0x0  }
0x16: {  	s3 =	sld [smem:$0x3FDB];
	s0 =	simm.s32 @p2 $0x1  }
0x17: {  	s4 =	simm.s32 $0x1BF5;
	[smem:$0x3FBC] =	sst s0  }
0x18: {  	s0 =	sld [smem:$0x3F9F];
	_ =	swait.ge [sflag:s4], $0x0  }
0x19: {  	s7 =	sld [smem:$0x3FA0]  }
0x1a: {  	s8 =	sadd.s32 $0xFFFFE003, lr  }
0x1b: {  	s9 =	sadd.s32 $0xFFFFFEF7, lr;
	s5 =	simm.s32 $0xFFFFFFFF;
	p2 =	slt.u32 s8, $0xFFFFF086  }
0x1c: {  	p1 =	slt.u32 s9, $0xF7A;
	s5 =	simm.s32 @!p2 $0x0  }
0x1d: {  	s5 =	simm.s32 @p1 $0x1;
	p0 =	seq.s32 s7, s2  }
0x1e: {  	s7 =	smul.u32 @!p0 $0xF7A, s2;
	p2 =	seq.s32 @!p0 s5, $0x0  }
0x1f: {  	s9 =	smul.u32 $0xF7A, s1;
	s8 =	simm.s32 @!p0 $0x1BF5;
	p2 =	por !p2, p0  }
0x20: {  	[sflag:s8] =	ssyncset.s32 @!p0 $0xFFFFF086;
	s6 =	sadd.s32 @!p0 s3, s7;
	s7 =	simm.s32 @!p0 $0x108  }
0x21: {  	s3 =	sadd.s32 s3, s9;
	s6 =	sadd.s32 @!p0 $0x88, s6;
	s7 =	simm.s32 @p2 $0x1082  }
0x22: {  	[simem:s7], [sflag:s8] =	dma.local @!p0 [hbm:s6], $0xF7A  }
0x23: {  	s9 =	sor.u32 $0xD0000000, s2;
	s6 =	simm.s32 $0x108;
	_ =	swait.ge @!p0 [sflag:s8], $0x0  }
0x24: {  	s3 =	sadd.s32 $0x88, s3;
	s6 =	simm.s32 @!p1 $0x1082;
	[sflag:s4] =	ssyncset.s32 $0xFFFFF086  }
0x25: {  	[simem:s6], [sflag:s4] =	dma.local [hbm:s3], $0xF7A  }
0x26: {  	[smem:$0x3FA0] =	sst s1;
	(tag) =	ssettag s2;
	_ =	strace s9  }
0x27: {  	s1 =	sld [smem:$0x3FB0]  }
0x28: {  	s2 =	sld [smem:$0x3FB1]  }
0x29: {  	s4 =	sld [smem:$0x3FB3]  }
0x2a: {  	p0 =	seq.s32 s5, $0x0;
	s5 =	sld [smem:$0x3FB4]  }
0x2b: {  	s6 =	sld [smem:$0x3FB5]  }
0x2c: {  	s7 =	sld [smem:$0x3FB6]  }
0x2d: {  	s3 =	simm.s32 $0x108;
	s8 =	sld [smem:$0x3FB7]  }
0x2e: {  	s3 =	simm.s32 @!p0 $0x1082;
	s9 =	sld [smem:$0x3FB8]  }
0x2f: {  	lr =	sadd.s32 s0, s3;
	s0 =	sld [smem:$0x3FAF]  }
0x30: {  	s3 =	sld [smem:$0x3FB2]  }
0x31: {  	[smem:$0x3FBB] =	sst s10  }
0x32: {  	s10 =	sld [smem:$0x3FB9];
	_ =	sdelay $0x3  }
0x33: {  	p0 =	seq.s32 s10, $0x1;
	s10 =	sld [smem:$0x3FBB];
	_ =	sdelay $0x3  }
0x34: {  	[smem:$0x3FBB] =	sst s10  }
0x35: {  	s10 =	sld [smem:$0x3FBA];
	_ =	sdelay $0x3  }
0x36: {  	p1 =	seq.s32 s10, $0x1;
	s10 =	sld [smem:$0x3FBB];
	_ =	sdelay $0x3  }
0x37: {  	[smem:$0x3FBB] =	sst s10  }
0x38: {  	s10 =	sld [smem:$0x3FBC]  }
0x39: {  	_ = 	snop;
	(pc) =	sbr.ind lr, $3  }
0x3a: {  	_ = 	snop  }
0x3b: {  	_ = 	snop  }
0x3c: {  	p2 =	seq.s32 s10, $0x1;
	s10 =	sld [smem:$0x3FBB]  }
0x3d: {  	_ =	shalt  }
0x3e: {  	_ =	shalt  }
0x3f: {  	_ =	shalt  }
0x40: {  	_ =	shalt  }
0x41: {  	_ =	shalt  }
0x42: {  	_ =	shalt  }
0x43: {  	_ =	shalt  }
0x44: {  	_ =	shalt  }
0x45: {  	_ =	shalt  }
0x46: {  	_ =	shalt  }
0x47: {  	_ =	shalt  }
0x48: {  	_ =	shalt  }
0x49: {  	_ =	shalt  }
0x4a: {  	_ =	shalt  }
0x4b: {  	_ =	shalt  }
0x4c: {  	_ =	shalt  }
0x4d: {  	_ =	shalt  }
0x4e: {  	_ =	shalt  }
0x4f: {  	_ =	shalt  }
0x50: {  	_ =	shalt  }
0x51: {  	_ =	shalt  }
0x52: {  	_ =	shalt  }
0x53: {  	_ =	shalt  }
0x54: {  	_ =	shalt  }
0x55: {  	_ =	shalt  }
0x56: {  	_ =	shalt  }
0x57: {  	_ =	shalt  }
0x58: {  	_ =	shalt  }
0x59: {  	_ =	shalt  }
0x5a: {  	_ =	shalt  }
0x5b: {  	_ =	shalt  }
0x5c: {  	_ =	shalt  }
0x5d: {  	_ =	shalt  }
0x5e: {  	_ =	shalt  }
0x5f: {  	_ =	shalt  }
0x60: {  	_ =	shalt  }
0x61: {  	_ =	shalt  }
0x62: {  	_ =	shalt  }
0x63: {  	_ =	shalt  }
0x64: {  	_ =	shalt  }
0x65: {  	_ =	shalt  }
0x66: {  	_ =	shalt  }
0x67: {  	_ =	shalt  }
0x68: {  	_ =	shalt  }
0x69: {  	_ =	shalt  }
0x6a: {  	_ =	shalt  }
0x6b: {  	_ =	shalt  }
0x6c: {  	_ =	shalt  }
0x6d: {  	_ =	shalt  }
0x6e: {  	_ =	shalt  }
0x6f: {  	_ =	shalt  }
0x70: {  	_ =	shalt  }
0x71: {  	_ =	shalt  }
0x72: {  	_ =	shalt  }
0x73: {  	_ =	shalt  }
0x74: {  	_ =	shalt  }
0x75: {  	_ =	shalt  }
0x76: {  	_ =	shalt  }
0x77: {  	_ =	shalt  }
0x78: {  	_ =	shalt  }
0x79: {  	_ =	shalt  }
0x7a: {  	_ =	shalt  }
0x7b: {  	_ =	shalt  }
0x7c: {  	_ =	shalt  }
0x7d: {  	_ =	shalt  }
0x7e: {  	_ =	shalt  }
0x7f: {  	_ =	shalt  }
0x80: {  	_ =	shalt  }
0x81: {  	_ =	shalt  }
0x82: {  	_ =	shalt  }
0x83: {  	_ =	shalt  }
0x84: {  	_ =	shalt  }
0x85: {  	_ =	shalt  }
0x86: {  	_ =	shalt  }
0x87: {  	_ =	shalt  }
.Lfunc_end0:
.L_simem_size_0:
called_computation_lowered:
.L_overlay_start_0:
0x88: {  	s2 =	sld [smem:$0x3FD9]  }
0x89: {  	s3 =	sld [smem:$0x3FFE];
	_ =	sdelay $0x1  }
0x8a: {  	s1 =	srdreg.scid  }
0x8b: {  	s0 =	sand.u32 $0x1, s1  }
0x8c: {  	s17 =	sshll.u32 s0, $0xA;
	s2 =	sadd.s32 s3, s2  }
0x8d: {  	s2 =	sadd.s32 s2, s17  }
0x8e: {  	[smem:$0x3FC7] =	sst s2  }
0x8f: {  	_ = 	snop  }
0x90: {  	s2 =	sld [smem:$0x3FD0];
	(tm) =	ssettm $0x1  }
0x91: {  	s18 =	sld [smem:$0x3FFB];
	_ =	sdelay $0x3  }
0x92: {  	_ =	strace s18  }
0x93: {  	s3 =	sld [smem:$0x3FFC];
	_ =	sdelay $0x3  }
0x94: {  	_ =	strace s3  }
0x95: {  	s3 =	sld [smem:$0x3FFD];
	_ =	sdelay $0x3  }
0x96: {  	_ =	strace s3  }
0x97: {  	_ =	strace $0x8FFFFFFF  }
0x98: {  	s19 =	sld [smem:$0x3FDB];
	_ =	sdelay $0x1  }
0x99: {  	s4 =	simm.s32 $_scs_section_size  }
0x9a: {  	s5 =	simm.s32 $_size__tile_overlayer_lowered;
	s6 =	simm.s32 $_tile_overlayer_lowered  }
0x9b: {  	s22 =	simm.s32 $0x1BFF;
	s21 =	sshll.u32 s6, $0x1;
	s3 =	sadd.s32 s4, s19  }
0x9c: {  	s7 =	simm.s32 $0x0;
	s20 =	sshll.u32 s5, $0x1;
	s5 =	sadd.s32 s21, s3  }
0x9d: {  	[timem:s7], [sflag:s22] =	dma.local [hbm:s5], s20  }
0x9e: {  	_ =	swait.ge [sflag:s22], s20  }
0x9f: {  	s4 =	ssub.s32 $0x0, s20;
	[sflag:s22] =	ssyncset.done $0x0  }
0xa0: {  	[sflag:s22] =	ssyncadd.s32 s4;
	_ =	sdelay $0x1  }
0xa1: {  	s23 =	simm.s32 $0x1B8B  }
0xa2: {  	_ =	swait.ge [sflag:s23], $0x1  }
0xa3: {  	[sflag:s23] =	ssyncset.done $0x0  }
0xa4: {  	s25 =	simm.s32 $0x1B8E;
	s24 =	sld [smem:$0x3FFE];
	[sflag:s23] =	ssyncadd.s32 $0xFFFFFFFF  }
0xa5: {  	s26 =	simm.s32 $execute0_lowered;
	[smem:$0x3FD2] =	sst s25  }
0xa6: {  	s5 =	sshll.u32 s26, $0x1;
	_ =	strace $0x80000046;
	[dreg:$0x1] =	wrdreg $0xFFFFFFFF  }
0xa7: {  	s28 =	simm.s32 $_size_execute0_lowered;
	s3 =	sadd.s32 s3, s5;
	[dreg:$0x0] =	wrdreg $0x0  }
0xa8: {  	s5 =	sshll.u32 s28, $0x1;
	[dreg:$0x2] =	wrdreg s3  }
0xa9: {  	[dreg:$0x3] =	wrdreg s5  }
0xaa: {  	[dreg:$0x4] =	wrdreg $0xC0  }
0xab: {  	_ =	task [dreg:s7], $0x5FFFF  }
0xac: {  	[dreg:$0x1] =	wrdreg $0xFFFFFFFF  }
0xad: {  	[dreg:$0x0] =	wrdreg $0x60  }
0xae: {  	[dreg:$0x2] =	wrdreg s24  }
0xaf: {  	[dreg:$0x3] =	wrdreg s2  }
0xb0: {  	[dreg:$0x4] =	wrdreg $0x9  }
0xb1: {  	_ =	task.clear_ibuf [dreg:s7], $0x5FFFF;
	_ =	strace $0x90000046  }
0xb2: {  	s29 =	simm.s32 $0x9;
	_ =	strace $0x80000048  }
0xb3: {  	_ =	swait.ge [sflag:s29], $0x1  }
0xb4: {  	[sflag:s29] =	ssyncadd.s32 $0xFFFFFFFF  }
0xb5: {  	_ =	strace $0x90000048  }
0xb6: {  	_ =	sfence  }
0xb7: {  	s30 =	sld [smem:$0x0];
	_ =	sdelay $0x2  }
0xb8: {  	s31 =	sshll.u32 s1, $0xD;
	s1 =	sshrl.u32 s1, $0x2  }
0xb9: {  	s3 =	sand.u32 $0x4000, s31;
	s1 =	sadd.s32 s1, s30  }
0xba: {  	s0 =	sor.u32 s3, s0;
	s1 =	sshll.u32 s1, $0x11  }
0xbb: {  	s0 =	sor.u32 s1, s0  }
0xbc: {  	s0 =	sadd.s32 $0x8F2B, s0  }
0xbd: {  	[sflag:s0] =	ssyncadd.remote.s32 $0x1  }
0xbe: {  	_ =	sfence.sel $0xFFFF  }
0xbf: {  	[dreg:$0x0] =	wrdreg $0xFFFFFFFF;
	(pc) =	sbr.abs _section_cstart, $3  }
0xc0: {  	[dreg:$0x1] =	wrdreg $0xFFFFFFFF  }
0xc1: {  	_ =	task.clear_ibuf [dreg:s7], $0x2FFFF;
	_ =	strace $0x9FFFFFFF  }
0xc2: {  	(tm) =	ssettm $0x7FFFFFFF  }
0xc3: {  	_ =	shalt  }
tec
execute0_lowered:
.L_overlay_start_1:
0x0: {  	(tag) =	ssettag $0x1  }
0x1: {  	s3 =	rddreg [dreg:$0x0]  }
0x2: {  	s1 =	srdreg.scid;
	s0 =	stileid.u32  }
0x3: {  	s4 =	rddreg [dreg:$0x1];
	s9 =	simm.s32 $0x0;
	s5 =	sand.u32 $0x1, s1  }
0x4: {  	s30 =	sshll.u32 s0, $0x5;
	s2 =	sshll.u32 s0, $0x8;
	s1 =	rddreg [dreg:$0x2]  }
0x5: {  	s6 =	sshll.u32 s5, $0x4;
	s7 =	sand.u32 $0x60, s30;
	s8 =	sand.u32 $0xC00, s2  }
0x6: {  	s2 =	simm.s32 $0x0;
	s5 =	ssub.s32 $0x2, s5;
	s6 =	sor.u32 s6, s7  }
0x7: {  	[smem:$0x7FF] =	sst s2;
	s31 =	sshrl.u32 s5, $0x1;
	s7 =	simm.s32 $0x400  }
0x8: {  	s6 =	sor.u32 s8, s6;
	_ =	strace $0x80000047;
	s5 =	ssub.s32 s5, s31  }
0x9: {  	s8 =	simm.s32 $0x1;
	s3 =	sadd.s32 s6, s3;
	s4 =	sadd.s32 s4, s6  }
0xa: {  	s5 =	smax.u32 s5, $0x1;
	s6 =	simm.s32 $0x80;
	s3 =	sadd.s32 $0x400, s3  }
.LBB2_1:
0xb: {  	[tilespmem:s2], [sflag:$0x1] =	stream.strided.gather [hbm4b:s3+s6], $0x400, s7, s6, $0x38;
	[tilespmem:$0x800] =	vst v63  }
0xc: {  	_ =	swait.ge [sflag:s8], $0x400  }
0xd: {  	[sflag:s8] =	ssyncset.done $0x0  }
0xe: {  	s12 =	simm.s32 $0x0;
	[sflag:s8] =	ssyncadd.s32 $0xFFFFFC00  }
0xf: {  	s10 =	simm.s32 $0x10;
	v0 =	vld [tilespmem:s12+$0x0]  }
0x10: {  	v1 =	vld [tilespmem:s10+$0x0];
	_ =	sdelay $0x3  }
0x11: {  	(xrf0) =	vadd.scan.msk.s32 $0xffff, v0  }
0x12: {  	(xrf0) =	vadd.scan.msk.s32 $0xffff, v1;
	_ =	sdelay $0x4  }
0x13: {  	s11 =	simm.s32 $0x20;
	vm0 =	vgt.s32 v0, $0x0;
	v0, _, _ =	vpop (xrf0)  }
0x14: {  	v2 =	vld [tilespmem:s11+$0x0];
	vm1 =	vgt.s32 v1, $0x0;
	(v2sf) =	vpush v0, $0xF;
	v1, _, _ =	vpop (xrf0)  }
0x15: {  	(v2sf) =	vpush v1, $0xF;
	_ =	sdelay $0x3  }
0x16: {  	s13 =	simm.s32 $0x30;
	(xrf0) =	vadd.scan.msk.s32 $0xffff, v2  }
0x17: {  	vm2 =	vgt.s32 v2, $0x0;
	v2 =	vld [tilespmem:s13+$0x0];
	_ =	sdelay $0x1  }
0x18: {  	vm0 =	vmmov vm0  }
0x19: {  	vm1 =	vmmov vm1;
	vm0 =	vmmov vm0  }
0x1a: {  	s15 =	simm.s32 $0x100;
	s14 =	simm.s32 $0x0;
	vm2 =	vmmov vm2;
	vm1 =	vmmov vm1;
	vm0 =	vmmov vm0  }
.LBB2_2:
0x1b: {  	s16 =	sshra.s32 s15, $0x2;
	p0 =	sne.s32 s15, $0xFC0;
	s15 =	sadd.s32 $0x40, s15;
	vm3 =	vgt.s32 v2, $0x0;
	(xrf0) =	vadd.scan.msk.s32 $0xffff, v2;
	v3, _, _ =	vpop (xrf0)  }
.Ltmp0:
0x1c: {  	s17 =	sadd.s32 $0xFFFFFFFF, s14;
	v2 =	vld [tilespmem:s16+$0x0];
	(v2sf) =	vpush v3, $0xF;
	(pc) =	sbr.rel @p0 .LBB2_2-.Ltmp0, $4  }
0x1d: {  	v4 =	vadd.s32 s17, v0;
	v0 =	vmov v1;
	v1 =	vmov v3  }
0x1e: {  	v3 =	vnsel vm0, $0x0, v4;
	vm0 =	vmmov vm1;
	vm1 =	vmmov vm2  }
0x1f: {  	vm2 =	vmmov vm3;
	[tilespmem:s12+$0x400] =	vst v3;
	s17 =	spop (v2sf);
	s12 =	smov.u32 s10;
	s10 =	smov.u32 s11  }
0x20: {  	s11 =	smov.u32 s13;
	s13 =	smov.u32 s16;
	s14 =	sadd.s32 s14, s17  }
0x21: {  	(xrf0) =	vadd.scan.msk.s32 $0xffff, v2  }
0x22: {  	v3, _, _ =	vpop (xrf0)  }
0x23: {  	(v2sf) =	vpush v3, $0xF;
	_ =	sdelay $0x3  }
0x24: {  	v4, _, _ =	vpop (xrf0)  }
0x25: {  	(v2sf) =	vpush v4, $0xF;
	_ =	sdelay $0x7  }
0x26: {  	s15 =	spop (v2sf)  }
0x27: {  	s26 =	sadd.s32 $0xFFFFFFFF, s14;
	vm3 =	vgt.s32 v2, $0x0;
	vm10 =	vmmov vm1;
	s15 =	sadd.s32 s14, s15;
	s28 =	spop (v2sf)  }
0x28: {  	vm11 =	vmmov vm2;
	v0 =	vadd.s32 s26, v0;
	vm12 =	vmmov vm3;
	s16 =	sadd.s32 $0xFFFFFFFF, s15;
	s14 =	sadd.s32 s15, s28;
	s29 =	spop (v2sf)  }
0x29: {  	vm13 =	vmmov vm11;
	v0 =	vnsel vm0, $0x0, v0;
	v1 =	vadd.s32 s16, v1;
	s15 =	sadd.s32 s14, s29;
	s14 =	sadd.s32 $0xFFFFFFFF, s14  }
0x2a: {  	vm14 =	vmmov vm12;
	[tilespmem:s12+$0x400] =	vst v0;
	v1 =	vnsel vm10, $0x0, v1;
	v61 =	vadd.s32 s14, v3;
	s30 =	sadd.s32 $0xFFFFFFFF, s15  }
0x2b: {  	s9 =	sadd.s32 $0x1, s9;
	vm15 =	vmmov vm14;
	[tilespmem:s10+$0x400] =	vst v1;
	v0 =	vnsel vm13, $0x0, v61;
	v62 =	vadd.s32 s30, v4  }
0x2c: {  	p0 =	sne.s32 s9, s5;
	[tilespmem:s11+$0x400] =	vst v0;
	v63 =	vnsel vm15, $0x0, v62  }
.Ltmp1:
0x2d: {  	[tilespmem:s13+$0x400] =	vst v63;
	s31 =	spop (v2sf);
	(pc) =	sbr.rel @p0 .LBB2_1-.Ltmp1, $4  }
0x2e: {  	[hbm4b:s4+s6] =	stream.strided.scatter [tilespmem:s7], [sflag:$0x1], $0x400, s7, s6, $0x38;
	[tilespmem:$0x800] =	vst v63  }
0x2f: {  	_ =	swait.ge [sflag:s8], $0x400  }
0x30: {  	[sflag:s8] =	ssyncset.done $0x0  }
0x31: {  	[sflag:s8] =	ssyncadd.s32 $0xFFFFFC00  }
0x32: {  	_ =	sfence.sel $0x180000  }
0x33: {  	[bflag:$0x0] =	sbarrier.arrive $0xFFFF  }
0x34: {  	p0 =	sne.s32 s0, $0x0;
	_ =	strace $0x90000047  }
0x35: {  	s0 =	sadd.s32 @!p0 $0x100000, s1;
	[bflag:$0x2] =	sbarrier.arrive $0xFFFF  }
0x36: {  	[sflag:s0] =	ssyncadd.tile.s32 @!p0 $0x1;
	_ =	shalt  }
.Lfunc_end2:
_tile_overlayer_lowered:
.L_overlay_start_2:
0x37: {  	(tag) =	ssettag $0x2  }
0x38: {  	s0 =	rddreg [dreg:$0x0];
	s2 =	stileid.u32  }
0x39: {  	s1 =	rddreg [dreg:$0x1];
	p0 =	sne.s32 s2, $0x0  }
0x3a: {  	s3 =	rddreg [dreg:$0x2];
	[bflag:$0x3] =	sbarrier.arrive $0xFFFF;
	s2 =	simm.s32 @!p0 $0x1C01  }
0x3b: {  	[timem:s3], [sflag:s2] =	dma.local @!p0 [hbm:s0], s1  }
0x3c: {  	s0 =	simm.s32 @!p0 $0x1  }
0x3d: {  	_ =	swait.ge @!p0 [sflag:s0], s1  }
0x3e: {  	s1 =	ssub.s32 @!p0 $0x0, s1;
	[sflag:s0] =	ssyncset.done @!p0 $0x0  }
0x3f: {  	[sflag:s0] =	ssyncadd.s32 @!p0 s1  }
0x40: {  	[bflag:$0x3] =	sbarrier.arrive $0xFFFF  }
0x41: {  	_ =	shalt  }

</sc_bundles>
